<compile_context>
chip_gen: v7x
topology: tpu7x:2x2x1
jax: 0.10.2.dev20260603
libtpu: 0.0.44.dev20260713+nightly
codegen_flags: <defaults>
</compile_context>

<pallas_src>
import jax
import jax.numpy as jnp
from jax import lax
from jax.experimental import pallas as pl
from jax.experimental.pallas import tpu as pltpu
from jax.experimental.pallas import tpu_sc as plsc

_BATCH = 100
_DIM = 1024
_MARGIN = 0.1
_NS = 16
_RPW = 8
_PAD = _NS * _RPW
_LANES = 16
_CHUNKS = _DIM // _LANES

_mesh = plsc.VectorSubcoreMesh(
    core_axis_name="c", subcore_axis_name="s", num_cores=1, num_subcores=_NS
)

_SCRATCH = [
    pltpu.VMEM((2 * _RPW,), jnp.int32),
    pltpu.VMEM((_RPW, _DIM), jnp.float32),
    pltpu.VMEM((2 * _RPW, _DIM), jnp.float32),
    pltpu.VMEM((_RPW, _LANES), jnp.float32),
    pltpu.SemaphoreType.DMA,
    pltpu.SemaphoreType.DMA,
]


def _loss_body(outputs_hbm, idx_hbm, emb_hbm, out_hbm,
               idx_v, outs, rows, drows, sem_g, sem_o):
    sid = lax.axis_index("s")
    base = sid * _RPW
    cp_o = pltpu.async_copy(outputs_hbm.at[pl.ds(base, _RPW)], outs, sem_o)
    pltpu.sync_copy(idx_hbm.at[sid], idx_v)
    cp_g = pltpu.async_copy(emb_hbm.at[idx_v], rows, sem_g)
    cp_o.wait()
    cp_g.wait()

    zero = jnp.zeros((_LANES,), jnp.float32)

    @plsc.parallel_loop(0, _CHUNKS, unroll=2, carry=(zero,) * _RPW)
    def accs(j, accs_in):
        col = j * _LANES
        new = []
        for r in range(_RPW):
            o = outs[r, pl.ds(col, _LANES)]
            t = rows[r, pl.ds(col, _LANES)]
            n = rows[r + _RPW, pl.ds(col, _LANES)]
            new.append(accs_in[r] + o * (n - t))
        return tuple(new)
    for r in range(_RPW):
        drows[r] = accs[r]
    pltpu.sync_copy(drows, out_hbm.at[sid])


_loss_kernel = pl.kernel(
    _loss_body,
    out_type=jax.ShapeDtypeStruct((_NS, _RPW, _LANES), jnp.float32),
    mesh=_mesh,
    scratch_types=_SCRATCH,
)


def _sum_body(parts_ref, out_ref):
    d = jnp.sum(parts_ref[...], axis=1)
    loss = jnp.maximum(jnp.float32(_MARGIN) + d, 0.0)
    row = lax.broadcasted_iota(jnp.int32, (_PAD,), 0)
    loss = jnp.where(row < _BATCH, loss, 0.0)
    out_ref[0, 0] = jnp.sum(loss)


_sum_kernel = pl.pallas_call(
    _sum_body,
    out_shape=jax.ShapeDtypeStruct((1, 1), jnp.float32),
    in_specs=[pl.BlockSpec(memory_space=pltpu.VMEM)],
    out_specs=pl.BlockSpec(memory_space=pltpu.SMEM),
)


def kernel(outputs, labels, labels_random, embeddings):
    pad = _PAD - _BATCH
    outputs_p = jnp.pad(outputs, ((0, pad), (0, 0)))
    labels_p = jnp.pad(labels, (0, pad)).reshape(_NS, _RPW)
    rand_p = jnp.pad(labels_random, (0, pad)).reshape(_NS, _RPW)
    idx = jnp.concatenate([labels_p, rand_p], axis=1)
    parts = _loss_kernel(outputs_p, idx, embeddings)
    return _sum_kernel(parts.reshape(_PAD, _LANES))[0, 0]

# --- scband reference (transcript-rebuilt; emitter-appended) ---
"""Pipeline reference for scband-my-loss-69054484185380 (READ-ONLY COPY).

The authoritative reference and input builder live on the scoring server;
editing this copy changes nothing except your own understanding.
"""

import jax, jax.numpy as jnp
import numpy as np

NUM_LABELS = 100
EMBED_DIM = 1024
BATCH = 100
MARGIN = 0.1


def setup_inputs(seed: int = 0) -> dict:
    key = jax.random.key(seed)
    k1, k2, k3, k4 = jax.random.split(key, 4)
    outputs = jax.random.normal(k1, (BATCH, EMBED_DIM), dtype=jnp.float32)
    labels = jax.random.randint(k2, (BATCH,), 0, NUM_LABELS, dtype=jnp.int32)
    # stands in for torch.randperm(100)[:size] (fixed here for determinism)
    labels_random = jax.random.permutation(k3, NUM_LABELS)[:BATCH].astype(jnp.int32)
    # learned label-embedding table (loaded from 'label_embedding.npy' in the original)
    embeddings = jax.random.normal(k4, (NUM_LABELS, EMBED_DIM), dtype=jnp.float32) * 0.05
    return {"outputs": outputs, "labels": labels, "labels_random": labels_random, "embeddings": embeddings}


def reference(outputs, labels, labels_random, embeddings):
    # gather true-label embeddings: torch.index_select(embeddings, 0, labels)
    true_labels_embedding = jnp.take(embeddings, labels, axis=0)
    x_mul = outputs * true_labels_embedding
    predict_true_similarity = jnp.sum(x_mul, axis=1)
    # gather negative-label embeddings via the (pre-drawn) random permutation
    false_labels_embedding = jnp.take(embeddings, labels_random, axis=0)
    y_mul = outputs * false_labels_embedding
    predict_negative_similarity = jnp.sum(y_mul, axis=1)
    loss = jnp.maximum(MARGIN - predict_true_similarity + predict_negative_similarity, 0.0)
    return jnp.sum(loss)

if __name__ == "__main__":
    import jax
    _d = setup_inputs()
    print(jax.jit(kernel)(*tuple(_d.values())))

</pallas_src>

<mosaic_0001>
#map = affine_map<(d0, d1) -> (0, 0)>
#map1 = affine_map<(d0, d1) -> (0, 0, 0)>
module attributes {stable_mosaic.version = 14 : i64} {
  func.func @_loss_body(%arg0: i32, %arg1: i32, %arg2: memref<128x1024xf32, #tpu.memory_space<hbm>>, %arg3: memref<16x16xi32, #tpu.memory_space<hbm>>, %arg4: memref<100x1024xf32, #tpu.memory_space<hbm>>, %arg5: memref<16x8x16xf32, #tpu.memory_space<hbm>>, %arg6: memref<16xi32, #tpu.memory_space<vmem>>, %arg7: memref<8x1024xf32, #tpu.memory_space<vmem>>, %arg8: memref<16x1024xf32, #tpu.memory_space<vmem>>, %arg9: memref<8x16xf32, #tpu.memory_space<vmem>>, %arg10: memref<!tpu.dma_semaphore, #tpu.memory_space<semaphore_mem>>, %arg11: memref<!tpu.dma_semaphore, #tpu.memory_space<semaphore_mem>>) attributes {dimension_semantics = [#tpu.dimension_semantics<core_parallel>, #tpu.dimension_semantics<subcore_parallel>], iteration_bounds = array<i64: 1, 16>, scalar_prefetch = 0 : i64, scratch_operands = 6 : i64, tpu.core_type = #tpu.core_type<sc_vector_subcore>, window_params = [{transform_indices = #map}, {transform_indices = #map}, {transform_indices = #map}, {transform_indices = #map1}]} {
    %mul3A = arith.constant 8 : i32
    %mul3A_0 = arith.muli %arg1, %mul3A : i32
    %dma_start3A = arith.constant 0 : i32
    %dma_start3A_1 = tpu.memref_slice %arg2[%mul3A_0, %dma_start3A] : memref<128x1024xf32, #tpu.memory_space<hbm>> -> memref<8x1024xf32, #tpu.memory_space<hbm>>
    %dma_start3A_2 = arith.constant 0 : i32
    %dma_start3A_3 = tpu.memref_slice %arg2[%mul3A_0, %dma_start3A_2] : memref<128x1024xf32, #tpu.memory_space<hbm>> -> memref<8x1024xf32, #tpu.memory_space<hbm>>
    tpu.enqueue_dma source(%dma_start3A_3 : memref<8x1024xf32, #tpu.memory_space<hbm>>) target(%arg7 : memref<8x1024xf32, #tpu.memory_space<vmem>>) target_semaphore(%arg11 : memref<!tpu.dma_semaphore, #tpu.memory_space<semaphore_mem>>)
    "tpu.region"() ({
      %run_scoped3A = tpu.sem_alloc : memref<!tpu.dma_semaphore, #tpu.memory_space<semaphore_mem>>
      %dma_start3A_64 = arith.constant 0 : i32
      %dma_start3A_65 = tpu.memref_slice %arg3[%arg1, %dma_start3A_64] : memref<16x16xi32, #tpu.memory_space<hbm>> -> memref<1x16xi32, #tpu.memory_space<hbm>>
      %dma_start3A_66 = tpu.memref_squeeze %dma_start3A_65 : memref<1x16xi32, #tpu.memory_space<hbm>> -> memref<16xi32, #tpu.memory_space<hbm>>
      %dma_start3A_67 = arith.constant 0 : i32
      %dma_start3A_68 = tpu.memref_slice %arg3[%arg1, %dma_start3A_67] : memref<16x16xi32, #tpu.memory_space<hbm>> -> memref<1x16xi32, #tpu.memory_space<hbm>>
      %dma_start3A_69 = tpu.memref_squeeze %dma_start3A_68 : memref<1x16xi32, #tpu.memory_space<hbm>> -> memref<16xi32, #tpu.memory_space<hbm>>
      tpu.enqueue_dma source(%dma_start3A_69 : memref<16xi32, #tpu.memory_space<hbm>>) target(%arg6 : memref<16xi32, #tpu.memory_space<vmem>>) target_semaphore(%run_scoped3A : memref<!tpu.dma_semaphore, #tpu.memory_space<semaphore_mem>>)
      %dma_wait3A_70 = arith.constant 0 : i32
      %dma_wait3A_71 = tpu.memref_slice %arg3[%arg1, %dma_wait3A_70] : memref<16x16xi32, #tpu.memory_space<hbm>> -> memref<1x16xi32, #tpu.memory_space<hbm>>
      %dma_wait3A_72 = tpu.memref_squeeze %dma_wait3A_71 : memref<1x16xi32, #tpu.memory_space<hbm>> -> memref<16xi32, #tpu.memory_space<hbm>>
      %dma_wait3A_73 = arith.constant 0 : i32
      %dma_wait3A_74 = tpu.memref_slice %arg3[%arg1, %dma_wait3A_73] : memref<16x16xi32, #tpu.memory_space<hbm>> -> memref<1x16xi32, #tpu.memory_space<hbm>>
      %dma_wait3A_75 = tpu.memref_squeeze %dma_wait3A_74 : memref<1x16xi32, #tpu.memory_space<hbm>> -> memref<16xi32, #tpu.memory_space<hbm>>
      tpu.wait_dma2 semaphore(%run_scoped3A : memref<!tpu.dma_semaphore, #tpu.memory_space<semaphore_mem>>) src(%dma_wait3A_75 : memref<16xi32, #tpu.memory_space<hbm>>) dst(%arg6 : memref<16xi32, #tpu.memory_space<vmem>>)
      tpu.yield
    }) : () -> ()
    %dma_start3A_4 = arith.constant 0 : i32
    %dma_start3A_5 = arith.constant 0 : i32
    %dma_start3A_6 = tpu.memref_slice %arg4[%dma_start3A_4, %dma_start3A_5] : memref<100x1024xf32, #tpu.memory_space<hbm>> -> memref<100x1024xf32, #tpu.memory_space<hbm>>
    tpu.enqueue_indirect_dma source(%dma_start3A_6 : memref<100x1024xf32, #tpu.memory_space<hbm>>) target(%arg8 : memref<16x1024xf32, #tpu.memory_space<vmem>>) offsets(%arg6 : memref<16xi32, #tpu.memory_space<vmem>>) semaphore(%arg10 : memref<!tpu.dma_semaphore, #tpu.memory_space<semaphore_mem>>)
    %dma_wait3A = arith.constant 0 : i32
    %dma_wait3A_7 = tpu.memref_slice %arg2[%mul3A_0, %dma_wait3A] : memref<128x1024xf32, #tpu.memory_space<hbm>> -> memref<8x1024xf32, #tpu.memory_space<hbm>>
    %dma_wait3A_8 = arith.constant 0 : i32
    %dma_wait3A_9 = tpu.memref_slice %arg2[%mul3A_0, %dma_wait3A_8] : memref<128x1024xf32, #tpu.memory_space<hbm>> -> memref<8x1024xf32, #tpu.memory_space<hbm>>
    tpu.wait_dma2 semaphore(%arg11 : memref<!tpu.dma_semaphore, #tpu.memory_space<semaphore_mem>>) src(%dma_wait3A_9 : memref<8x1024xf32, #tpu.memory_space<hbm>>) dst(%arg7 : memref<8x1024xf32, #tpu.memory_space<vmem>>)
    %dma_wait3A_10 = arith.constant 0 : i32
    %dma_wait3A_11 = arith.constant 0 : i32
    %dma_wait3A_12 = tpu.memref_slice %arg4[%dma_wait3A_10, %dma_wait3A_11] : memref<100x1024xf32, #tpu.memory_space<hbm>> -> memref<100x1024xf32, #tpu.memory_space<hbm>>
    tpu.wait_indirect_dma semaphore(%arg10 : memref<!tpu.dma_semaphore, #tpu.memory_space<semaphore_mem>>) src(%dma_wait3A_12 : memref<100x1024xf32, #tpu.memory_space<hbm>>) dst(%arg8 : memref<16x1024xf32, #tpu.memory_space<vmem>>)
    %broadcast_in_dim3A = arith.constant 0.000000e+00 : f32
    %broadcast_in_dim3A_13 = vector.broadcast %broadcast_in_dim3A : f32 to vector<16xf32>
    %parallel_loop3A = arith.constant 0 : i32
    %parallel_loop3A_14 = arith.constant 64 : i32
    %parallel_loop3A_15 = arith.constant 1 : i32
    %parallel_loop3A_16:8 = scf.for %parallel_loop3A_64 = %parallel_loop3A to %parallel_loop3A_14 step %parallel_loop3A_15 iter_args(%parallel_loop3A_65 = %broadcast_in_dim3A_13, %parallel_loop3A_66 = %broadcast_in_dim3A_13, %parallel_loop3A_67 = %broadcast_in_dim3A_13, %parallel_loop3A_68 = %broadcast_in_dim3A_13, %parallel_loop3A_69 = %broadcast_in_dim3A_13, %parallel_loop3A_70 = %broadcast_in_dim3A_13, %parallel_loop3A_71 = %broadcast_in_dim3A_13, %parallel_loop3A_72 = %broadcast_in_dim3A_13) -> (vector<16xf32>, vector<16xf32>, vector<16xf32>, vector<16xf32>, vector<16xf32>, vector<16xf32>, vector<16xf32>, vector<16xf32>)  : i32 {
      %parallel_loop3A_73 = arith.constant 16 : i32
      %parallel_loop3A_74 = arith.muli %parallel_loop3A_64, %parallel_loop3A_73 : i32
      %parallel_loop3A_75 = arith.constant 0 : i32
      %parallel_loop3A_76 = arith.index_cast %parallel_loop3A_75 : i32 to index
      %parallel_loop3A_77 = arith.index_cast %parallel_loop3A_74 : i32 to index
      %parallel_loop3A_78 = tpu.vector_load %arg7[%parallel_loop3A_76, %parallel_loop3A_77] {strides = array<i32>} : memref<8x1024xf32, #tpu.memory_space<vmem>>, vector<1x16xf32>,
      %parallel_loop3A_79 = vector.shape_cast %parallel_loop3A_78 : vector<1x16xf32> to vector<16xf32>
      %parallel_loop3A_80 = arith.constant 0 : i32
      %parallel_loop3A_81 = arith.index_cast %parallel_loop3A_80 : i32 to index
      %parallel_loop3A_82 = arith.index_cast %parallel_loop3A_74 : i32 to index
      %parallel_loop3A_83 = tpu.vector_load %arg8[%parallel_loop3A_81, %parallel_loop3A_82] {strides = array<i32>} : memref<16x1024xf32, #tpu.memory_space<vmem>>, vector<1x16xf32>,
      %parallel_loop3A_84 = vector.shape_cast %parallel_loop3A_83 : vector<1x16xf32> to vector<16xf32>
      %parallel_loop3A_85 = arith.constant 8 : i32
      %parallel_loop3A_86 = arith.index_cast %parallel_loop3A_85 : i32 to index
      %parallel_loop3A_87 = arith.index_cast %parallel_loop3A_74 : i32 to index
      %parallel_loop3A_88 = tpu.vector_load %arg8[%parallel_loop3A_86, %parallel_loop3A_87] {strides = array<i32>} : memref<16x1024xf32, #tpu.memory_space<vmem>>, vector<1x16xf32>,
      %parallel_loop3A_89 = vector.shape_cast %parallel_loop3A_88 : vector<1x16xf32> to vector<16xf32>
      %parallel_loop3A_90 = arith.subf %parallel_loop3A_89, %parallel_loop3A_84 : vector<16xf32>
      %parallel_loop3A_91 = arith.mulf %parallel_loop3A_79, %parallel_loop3A_90 : vector<16xf32>
      %parallel_loop3A_92 = arith.addf %parallel_loop3A_65, %parallel_loop3A_91 : vector<16xf32>
      %parallel_loop3A_93 = arith.constant 1 : i32
      %parallel_loop3A_94 = arith.index_cast %parallel_loop3A_93 : i32 to index
      %parallel_loop3A_95 = arith.index_cast %parallel_loop3A_74 : i32 to index
      %parallel_loop3A_96 = tpu.vector_load %arg7[%parallel_loop3A_94, %parallel_loop3A_95] {strides = array<i32>} : memref<8x1024xf32, #tpu.memory_space<vmem>>, vector<1x16xf32>,
      %parallel_loop3A_97 = vector.shape_cast %parallel_loop3A_96 : vector<1x16xf32> to vector<16xf32>
      %parallel_loop3A_98 = arith.constant 1 : i32
      %parallel_loop3A_99 = arith.index_cast %parallel_loop3A_98 : i32 to index
      %parallel_loop3A_100 = arith.index_cast %parallel_loop3A_74 : i32 to index
      %parallel_loop3A_101 = tpu.vector_load %arg8[%parallel_loop3A_99, %parallel_loop3A_100] {strides = array<i32>} : memref<16x1024xf32, #tpu.memory_space<vmem>>, vector<1x16xf32>,
      %parallel_loop3A_102 = vector.shape_cast %parallel_loop3A_101 : vector<1x16xf32> to vector<16xf32>
      %parallel_loop3A_103 = arith.constant 9 : i32
      %parallel_loop3A_104 = arith.index_cast %parallel_loop3A_103 : i32 to index
      %parallel_loop3A_105 = arith.index_cast %parallel_loop3A_74 : i32 to index
      %parallel_loop3A_106 = tpu.vector_load %arg8[%parallel_loop3A_104, %parallel_loop3A_105] {strides = array<i32>} : memref<16x1024xf32, #tpu.memory_space<vmem>>, vector<1x16xf32>,
      %parallel_loop3A_107 = vector.shape_cast %parallel_loop3A_106 : vector<1x16xf32> to vector<16xf32>
      %parallel_loop3A_108 = arith.subf %parallel_loop3A_107, %parallel_loop3A_102 : vector<16xf32>
      %parallel_loop3A_109 = arith.mulf %parallel_loop3A_97, %parallel_loop3A_108 : vector<16xf32>
      %parallel_loop3A_110 = arith.addf %parallel_loop3A_66, %parallel_loop3A_109 : vector<16xf32>
      %parallel_loop3A_111 = arith.constant 2 : i32
      %parallel_loop3A_112 = arith.index_cast %parallel_loop3A_111 : i32 to index
      %parallel_loop3A_113 = arith.index_cast %parallel_loop3A_74 : i32 to index
      %parallel_loop3A_114 = tpu.vector_load %arg7[%parallel_loop3A_112, %parallel_loop3A_113] {strides = array<i32>} : memref<8x1024xf32, #tpu.memory_space<vmem>>, vector<1x16xf32>,
      %parallel_loop3A_115 = vector.shape_cast %parallel_loop3A_114 : vector<1x16xf32> to vector<16xf32>
      %parallel_loop3A_116 = arith.constant 2 : i32
      %parallel_loop3A_117 = arith.index_cast %parallel_loop3A_116 : i32 to index
      %parallel_loop3A_118 = arith.index_cast %parallel_loop3A_74 : i32 to index
      %parallel_loop3A_119 = tpu.vector_load %arg8[%parallel_loop3A_117, %parallel_loop3A_118] {strides = array<i32>} : memref<16x1024xf32, #tpu.memory_space<vmem>>, vector<1x16xf32>,
      %parallel_loop3A_120 = vector.shape_cast %parallel_loop3A_119 : vector<1x16xf32> to vector<16xf32>
      %parallel_loop3A_121 = arith.constant 10 : i32
      %parallel_loop3A_122 = arith.index_cast %parallel_loop3A_121 : i32 to index
      %parallel_loop3A_123 = arith.index_cast %parallel_loop3A_74 : i32 to index
      %parallel_loop3A_124 = tpu.vector_load %arg8[%parallel_loop3A_122, %parallel_loop3A_123] {strides = array<i32>} : memref<16x1024xf32, #tpu.memory_space<vmem>>, vector<1x16xf32>,
      %parallel_loop3A_125 = vector.shape_cast %parallel_loop3A_124 : vector<1x16xf32> to vector<16xf32>
      %parallel_loop3A_126 = arith.subf %parallel_loop3A_125, %parallel_loop3A_120 : vector<16xf32>
      %parallel_loop3A_127 = arith.mulf %parallel_loop3A_115, %parallel_loop3A_126 : vector<16xf32>
      %parallel_loop3A_128 = arith.addf %parallel_loop3A_67, %parallel_loop3A_127 : vector<16xf32>
      %parallel_loop3A_129 = arith.constant 3 : i32
      %parallel_loop3A_130 = arith.index_cast %parallel_loop3A_129 : i32 to index
      %parallel_loop3A_131 = arith.index_cast %parallel_loop3A_74 : i32 to index
      %parallel_loop3A_132 = tpu.vector_load %arg7[%parallel_loop3A_130, %parallel_loop3A_131] {strides = array<i32>} : memref<8x1024xf32, #tpu.memory_space<vmem>>, vector<1x16xf32>,
      %parallel_loop3A_133 = vector.shape_cast %parallel_loop3A_132 : vector<1x16xf32> to vector<16xf32>
      %parallel_loop3A_134 = arith.constant 3 : i32
      %parallel_loop3A_135 = arith.index_cast %parallel_loop3A_134 : i32 to index
      %parallel_loop3A_136 = arith.index_cast %parallel_loop3A_74 : i32 to index
      %parallel_loop3A_137 = tpu.vector_load %arg8[%parallel_loop3A_135, %parallel_loop3A_136] {strides = array<i32>} : memref<16x1024xf32, #tpu.memory_space<vmem>>, vector<1x16xf32>,
      %parallel_loop3A_138 = vector.shape_cast %parallel_loop3A_137 : vector<1x16xf32> to vector<16xf32>
      %parallel_loop3A_139 = arith.constant 11 : i32
      %parallel_loop3A_140 = arith.index_cast %parallel_loop3A_139 : i32 to index
      %parallel_loop3A_141 = arith.index_cast %parallel_loop3A_74 : i32 to index
      %parallel_loop3A_142 = tpu.vector_load %arg8[%parallel_loop3A_140, %parallel_loop3A_141] {strides = array<i32>} : memref<16x1024xf32, #tpu.memory_space<vmem>>, vector<1x16xf32>,
      %parallel_loop3A_143 = vector.shape_cast %parallel_loop3A_142 : vector<1x16xf32> to vector<16xf32>
      %parallel_loop3A_144 = arith.subf %parallel_loop3A_143, %parallel_loop3A_138 : vector<16xf32>
      %parallel_loop3A_145 = arith.mulf %parallel_loop3A_133, %parallel_loop3A_144 : vector<16xf32>
      %parallel_loop3A_146 = arith.addf %parallel_loop3A_68, %parallel_loop3A_145 : vector<16xf32>
      %parallel_loop3A_147 = arith.constant 4 : i32
      %parallel_loop3A_148 = arith.index_cast %parallel_loop3A_147 : i32 to index
      %parallel_loop3A_149 = arith.index_cast %parallel_loop3A_74 : i32 to index
      %parallel_loop3A_150 = tpu.vector_load %arg7[%parallel_loop3A_148, %parallel_loop3A_149] {strides = array<i32>} : memref<8x1024xf32, #tpu.memory_space<vmem>>, vector<1x16xf32>,
      %parallel_loop3A_151 = vector.shape_cast %parallel_loop3A_150 : vector<1x16xf32> to vector<16xf32>
      %parallel_loop3A_152 = arith.constant 4 : i32
      %parallel_loop3A_153 = arith.index_cast %parallel_loop3A_152 : i32 to index
      %parallel_loop3A_154 = arith.index_cast %parallel_loop3A_74 : i32 to index
      %parallel_loop3A_155 = tpu.vector_load %arg8[%parallel_loop3A_153, %parallel_loop3A_154] {strides = array<i32>} : memref<16x1024xf32, #tpu.memory_space<vmem>>, vector<1x16xf32>,
      %parallel_loop3A_156 = vector.shape_cast %parallel_loop3A_155 : vector<1x16xf32> to vector<16xf32>
      %parallel_loop3A_157 = arith.constant 12 : i32
      %parallel_loop3A_158 = arith.index_cast %parallel_loop3A_157 : i32 to index
      %parallel_loop3A_159 = arith.index_cast %parallel_loop3A_74 : i32 to index
      %parallel_loop3A_160 = tpu.vector_load %arg8[%parallel_loop3A_158, %parallel_loop3A_159] {strides = array<i32>} : memref<16x1024xf32, #tpu.memory_space<vmem>>, vector<1x16xf32>,
      %parallel_loop3A_161 = vector.shape_cast %parallel_loop3A_160 : vector<1x16xf32> to vector<16xf32>
      %parallel_loop3A_162 = arith.subf %parallel_loop3A_161, %parallel_loop3A_156 : vector<16xf32>
      %parallel_loop3A_163 = arith.mulf %parallel_loop3A_151, %parallel_loop3A_162 : vector<16xf32>
      %parallel_loop3A_164 = arith.addf %parallel_loop3A_69, %parallel_loop3A_163 : vector<16xf32>
      %parallel_loop3A_165 = arith.constant 5 : i32
      %parallel_loop3A_166 = arith.index_cast %parallel_loop3A_165 : i32 to index
      %parallel_loop3A_167 = arith.index_cast %parallel_loop3A_74 : i32 to index
      %parallel_loop3A_168 = tpu.vector_load %arg7[%parallel_loop3A_166, %parallel_loop3A_167] {strides = array<i32>} : memref<8x1024xf32, #tpu.memory_space<vmem>>, vector<1x16xf32>,
      %parallel_loop3A_169 = vector.shape_cast %parallel_loop3A_168 : vector<1x16xf32> to vector<16xf32>
      %parallel_loop3A_170 = arith.constant 5 : i32
      %parallel_loop3A_171 = arith.index_cast %parallel_loop3A_170 : i32 to index
      %parallel_loop3A_172 = arith.index_cast %parallel_loop3A_74 : i32 to index
      %parallel_loop3A_173 = tpu.vector_load %arg8[%parallel_loop3A_171, %parallel_loop3A_172] {strides = array<i32>} : memref<16x1024xf32, #tpu.memory_space<vmem>>, vector<1x16xf32>,
      %parallel_loop3A_174 = vector.shape_cast %parallel_loop3A_173 : vector<1x16xf32> to vector<16xf32>
      %parallel_loop3A_175 = arith.constant 13 : i32
      %parallel_loop3A_176 = arith.index_cast %parallel_loop3A_175 : i32 to index
      %parallel_loop3A_177 = arith.index_cast %parallel_loop3A_74 : i32 to index
      %parallel_loop3A_178 = tpu.vector_load %arg8[%parallel_loop3A_176, %parallel_loop3A_177] {strides = array<i32>} : memref<16x1024xf32, #tpu.memory_space<vmem>>, vector<1x16xf32>,
      %parallel_loop3A_179 = vector.shape_cast %parallel_loop3A_178 : vector<1x16xf32> to vector<16xf32>
      %parallel_loop3A_180 = arith.subf %parallel_loop3A_179, %parallel_loop3A_174 : vector<16xf32>
      %parallel_loop3A_181 = arith.mulf %parallel_loop3A_169, %parallel_loop3A_180 : vector<16xf32>
      %parallel_loop3A_182 = arith.addf %parallel_loop3A_70, %parallel_loop3A_181 : vector<16xf32>
      %parallel_loop3A_183 = arith.constant 6 : i32
      %parallel_loop3A_184 = arith.index_cast %parallel_loop3A_183 : i32 to index
      %parallel_loop3A_185 = arith.index_cast %parallel_loop3A_74 : i32 to index
      %parallel_loop3A_186 = tpu.vector_load %arg7[%parallel_loop3A_184, %parallel_loop3A_185] {strides = array<i32>} : memref<8x1024xf32, #tpu.memory_space<vmem>>, vector<1x16xf32>,
      %parallel_loop3A_187 = vector.shape_cast %parallel_loop3A_186 : vector<1x16xf32> to vector<16xf32>
      %parallel_loop3A_188 = arith.constant 6 : i32
      %parallel_loop3A_189 = arith.index_cast %parallel_loop3A_188 : i32 to index
      %parallel_loop3A_190 = arith.index_cast %parallel_loop3A_74 : i32 to index
      %parallel_loop3A_191 = tpu.vector_load %arg8[%parallel_loop3A_189, %parallel_loop3A_190] {strides = array<i32>} : memref<16x1024xf32, #tpu.memory_space<vmem>>, vector<1x16xf32>,
      %parallel_loop3A_192 = vector.shape_cast %parallel_loop3A_191 : vector<1x16xf32> to vector<16xf32>
      %parallel_loop3A_193 = arith.constant 14 : i32
      %parallel_loop3A_194 = arith.index_cast %parallel_loop3A_193 : i32 to index
      %parallel_loop3A_195 = arith.index_cast %parallel_loop3A_74 : i32 to index
      %parallel_loop3A_196 = tpu.vector_load %arg8[%parallel_loop3A_194, %parallel_loop3A_195] {strides = array<i32>} : memref<16x1024xf32, #tpu.memory_space<vmem>>, vector<1x16xf32>,
      %parallel_loop3A_197 = vector.shape_cast %parallel_loop3A_196 : vector<1x16xf32> to vector<16xf32>
      %parallel_loop3A_198 = arith.subf %parallel_loop3A_197, %parallel_loop3A_192 : vector<16xf32>
      %parallel_loop3A_199 = arith.mulf %parallel_loop3A_187, %parallel_loop3A_198 : vector<16xf32>
      %parallel_loop3A_200 = arith.addf %parallel_loop3A_71, %parallel_loop3A_199 : vector<16xf32>
      %parallel_loop3A_201 = arith.constant 7 : i32
      %parallel_loop3A_202 = arith.index_cast %parallel_loop3A_201 : i32 to index
      %parallel_loop3A_203 = arith.index_cast %parallel_loop3A_74 : i32 to index
      %parallel_loop3A_204 = tpu.vector_load %arg7[%parallel_loop3A_202, %parallel_loop3A_203] {strides = array<i32>} : memref<8x1024xf32, #tpu.memory_space<vmem>>, vector<1x16xf32>,
      %parallel_loop3A_205 = vector.shape_cast %parallel_loop3A_204 : vector<1x16xf32> to vector<16xf32>
      %parallel_loop3A_206 = arith.constant 7 : i32
      %parallel_loop3A_207 = arith.index_cast %parallel_loop3A_206 : i32 to index
      %parallel_loop3A_208 = arith.index_cast %parallel_loop3A_74 : i32 to index
      %parallel_loop3A_209 = tpu.vector_load %arg8[%parallel_loop3A_207, %parallel_loop3A_208] {strides = array<i32>} : memref<16x1024xf32, #tpu.memory_space<vmem>>, vector<1x16xf32>,
      %parallel_loop3A_210 = vector.shape_cast %parallel_loop3A_209 : vector<1x16xf32> to vector<16xf32>
      %parallel_loop3A_211 = arith.constant 15 : i32
      %parallel_loop3A_212 = arith.index_cast %parallel_loop3A_211 : i32 to index
      %parallel_loop3A_213 = arith.index_cast %parallel_loop3A_74 : i32 to index
      %parallel_loop3A_214 = tpu.vector_load %arg8[%parallel_loop3A_212, %parallel_loop3A_213] {strides = array<i32>} : memref<16x1024xf32, #tpu.memory_space<vmem>>, vector<1x16xf32>,
      %parallel_loop3A_215 = vector.shape_cast %parallel_loop3A_214 : vector<1x16xf32> to vector<16xf32>
      %parallel_loop3A_216 = arith.subf %parallel_loop3A_215, %parallel_loop3A_210 : vector<16xf32>
      %parallel_loop3A_217 = arith.mulf %parallel_loop3A_205, %parallel_loop3A_216 : vector<16xf32>
      %parallel_loop3A_218 = arith.addf %parallel_loop3A_72, %parallel_loop3A_217 : vector<16xf32>
      scf.yield %parallel_loop3A_92, %parallel_loop3A_110, %parallel_loop3A_128, %parallel_loop3A_146, %parallel_loop3A_164, %parallel_loop3A_182, %parallel_loop3A_200, %parallel_loop3A_218 : vector<16xf32>, vector<16xf32>, vector<16xf32>, vector<16xf32>, vector<16xf32>, vector<16xf32>, vector<16xf32>, vector<16xf32>
    } {sc.loop_unroll_factor = 2 : i64, sc.parallel_access}
    %swap3A = arith.constant 0 : i32
    %swap3A_17 = arith.index_cast %swap3A : i32 to index
    %swap3A_18 = arith.constant 0 : index
    %swap3A_19 = tpu.vector_load %arg9[%swap3A_17, %swap3A_18] {strides = array<i32>} : memref<8x16xf32, #tpu.memory_space<vmem>>, vector<1x16xf32>,
    %swap3A_20 = vector.shape_cast %swap3A_19 : vector<1x16xf32> to vector<16xf32>
    %swap3A_21 = vector.shape_cast %parallel_loop3A_16#0 : vector<16xf32> to vector<1x16xf32>
    tpu.vector_store %arg9[%swap3A_17, %swap3A_18], %swap3A_21 {strides = array<i32>} : memref<8x16xf32, #tpu.memory_space<vmem>>, vector<1x16xf32>,
    %swap3A_22 = arith.constant 1 : i32
    %swap3A_23 = arith.index_cast %swap3A_22 : i32 to index
    %swap3A_24 = arith.constant 0 : index
    %swap3A_25 = tpu.vector_load %arg9[%swap3A_23, %swap3A_24] {strides = array<i32>} : memref<8x16xf32, #tpu.memory_space<vmem>>, vector<1x16xf32>,
    %swap3A_26 = vector.shape_cast %swap3A_25 : vector<1x16xf32> to vector<16xf32>
    %swap3A_27 = vector.shape_cast %parallel_loop3A_16#1 : vector<16xf32> to vector<1x16xf32>
    tpu.vector_store %arg9[%swap3A_23, %swap3A_24], %swap3A_27 {strides = array<i32>} : memref<8x16xf32, #tpu.memory_space<vmem>>, vector<1x16xf32>,
    %swap3A_28 = arith.constant 2 : i32
    %swap3A_29 = arith.index_cast %swap3A_28 : i32 to index
    %swap3A_30 = arith.constant 0 : index
    %swap3A_31 = tpu.vector_load %arg9[%swap3A_29, %swap3A_30] {strides = array<i32>} : memref<8x16xf32, #tpu.memory_space<vmem>>, vector<1x16xf32>,
    %swap3A_32 = vector.shape_cast %swap3A_31 : vector<1x16xf32> to vector<16xf32>
    %swap3A_33 = vector.shape_cast %parallel_loop3A_16#2 : vector<16xf32> to vector<1x16xf32>
    tpu.vector_store %arg9[%swap3A_29, %swap3A_30], %swap3A_33 {strides = array<i32>} : memref<8x16xf32, #tpu.memory_space<vmem>>, vector<1x16xf32>,
    %swap3A_34 = arith.constant 3 : i32
    %swap3A_35 = arith.index_cast %swap3A_34 : i32 to index
    %swap3A_36 = arith.constant 0 : index
    %swap3A_37 = tpu.vector_load %arg9[%swap3A_35, %swap3A_36] {strides = array<i32>} : memref<8x16xf32, #tpu.memory_space<vmem>>, vector<1x16xf32>,
    %swap3A_38 = vector.shape_cast %swap3A_37 : vector<1x16xf32> to vector<16xf32>
    %swap3A_39 = vector.shape_cast %parallel_loop3A_16#3 : vector<16xf32> to vector<1x16xf32>
    tpu.vector_store %arg9[%swap3A_35, %swap3A_36], %swap3A_39 {strides = array<i32>} : memref<8x16xf32, #tpu.memory_space<vmem>>, vector<1x16xf32>,
    %swap3A_40 = arith.constant 4 : i32
    %swap3A_41 = arith.index_cast %swap3A_40 : i32 to index
    %swap3A_42 = arith.constant 0 : index
    %swap3A_43 = tpu.vector_load %arg9[%swap3A_41, %swap3A_42] {strides = array<i32>} : memref<8x16xf32, #tpu.memory_space<vmem>>, vector<1x16xf32>,
    %swap3A_44 = vector.shape_cast %swap3A_43 : vector<1x16xf32> to vector<16xf32>
    %swap3A_45 = vector.shape_cast %parallel_loop3A_16#4 : vector<16xf32> to vector<1x16xf32>
    tpu.vector_store %arg9[%swap3A_41, %swap3A_42], %swap3A_45 {strides = array<i32>} : memref<8x16xf32, #tpu.memory_space<vmem>>, vector<1x16xf32>,
    %swap3A_46 = arith.constant 5 : i32
    %swap3A_47 = arith.index_cast %swap3A_46 : i32 to index
    %swap3A_48 = arith.constant 0 : index
    %swap3A_49 = tpu.vector_load %arg9[%swap3A_47, %swap3A_48] {strides = array<i32>} : memref<8x16xf32, #tpu.memory_space<vmem>>, vector<1x16xf32>,
    %swap3A_50 = vector.shape_cast %swap3A_49 : vector<1x16xf32> to vector<16xf32>
    %swap3A_51 = vector.shape_cast %parallel_loop3A_16#5 : vector<16xf32> to vector<1x16xf32>
    tpu.vector_store %arg9[%swap3A_47, %swap3A_48], %swap3A_51 {strides = array<i32>} : memref<8x16xf32, #tpu.memory_space<vmem>>, vector<1x16xf32>,
    %swap3A_52 = arith.constant 6 : i32
    %swap3A_53 = arith.index_cast %swap3A_52 : i32 to index
    %swap3A_54 = arith.constant 0 : index
    %swap3A_55 = tpu.vector_load %arg9[%swap3A_53, %swap3A_54] {strides = array<i32>} : memref<8x16xf32, #tpu.memory_space<vmem>>, vector<1x16xf32>,
    %swap3A_56 = vector.shape_cast %swap3A_55 : vector<1x16xf32> to vector<16xf32>
    %swap3A_57 = vector.shape_cast %parallel_loop3A_16#6 : vector<16xf32> to vector<1x16xf32>
    tpu.vector_store %arg9[%swap3A_53, %swap3A_54], %swap3A_57 {strides = array<i32>} : memref<8x16xf32, #tpu.memory_space<vmem>>, vector<1x16xf32>,
    %swap3A_58 = arith.constant 7 : i32
    %swap3A_59 = arith.index_cast %swap3A_58 : i32 to index
    %swap3A_60 = arith.constant 0 : index
    %swap3A_61 = tpu.vector_load %arg9[%swap3A_59, %swap3A_60] {strides = array<i32>} : memref<8x16xf32, #tpu.memory_space<vmem>>, vector<1x16xf32>,
    %swap3A_62 = vector.shape_cast %swap3A_61 : vector<1x16xf32> to vector<16xf32>
    %swap3A_63 = vector.shape_cast %parallel_loop3A_16#7 : vector<16xf32> to vector<1x16xf32>
    tpu.vector_store %arg9[%swap3A_59, %swap3A_60], %swap3A_63 {strides = array<i32>} : memref<8x16xf32, #tpu.memory_space<vmem>>, vector<1x16xf32>,
    "tpu.region"() ({
      %run_scoped3A = tpu.sem_alloc : memref<!tpu.dma_semaphore, #tpu.memory_space<semaphore_mem>>
      %dma_start3A_64 = arith.constant 0 : i32
      %dma_start3A_65 = arith.constant 0 : i32
      %dma_start3A_66 = tpu.memref_slice %arg5[%arg1, %dma_start3A_64, %dma_start3A_65] : memref<16x8x16xf32, #tpu.memory_space<hbm>> -> memref<1x8x16xf32, #tpu.memory_space<hbm>>
      %dma_start3A_67 = tpu.memref_squeeze %dma_start3A_66 : memref<1x8x16xf32, #tpu.memory_space<hbm>> -> memref<8x16xf32, #tpu.memory_space<hbm>>
      %dma_start3A_68 = arith.constant 0 : i32
      %dma_start3A_69 = arith.constant 0 : i32
      %dma_start3A_70 = tpu.memref_slice %arg5[%arg1, %dma_start3A_68, %dma_start3A_69] : memref<16x8x16xf32, #tpu.memory_space<hbm>> -> memref<1x8x16xf32, #tpu.memory_space<hbm>>
      %dma_start3A_71 = tpu.memref_squeeze %dma_start3A_70 : memref<1x8x16xf32, #tpu.memory_space<hbm>> -> memref<8x16xf32, #tpu.memory_space<hbm>>
      tpu.enqueue_dma source(%arg9 : memref<8x16xf32, #tpu.memory_space<vmem>>) target(%dma_start3A_71 : memref<8x16xf32, #tpu.memory_space<hbm>>) target_semaphore(%run_scoped3A : memref<!tpu.dma_semaphore, #tpu.memory_space<semaphore_mem>>)
      %dma_wait3A_72 = arith.constant 0 : i32
      %dma_wait3A_73 = arith.constant 0 : i32
      %dma_wait3A_74 = tpu.memref_slice %arg5[%arg1, %dma_wait3A_72, %dma_wait3A_73] : memref<16x8x16xf32, #tpu.memory_space<hbm>> -> memref<1x8x16xf32, #tpu.memory_space<hbm>>
      %dma_wait3A_75 = tpu.memref_squeeze %dma_wait3A_74 : memref<1x8x16xf32, #tpu.memory_space<hbm>> -> memref<8x16xf32, #tpu.memory_space<hbm>>
      %dma_wait3A_76 = arith.constant 0 : i32
      %dma_wait3A_77 = arith.constant 0 : i32
      %dma_wait3A_78 = tpu.memref_slice %arg5[%arg1, %dma_wait3A_76, %dma_wait3A_77] : memref<16x8x16xf32, #tpu.memory_space<hbm>> -> memref<1x8x16xf32, #tpu.memory_space<hbm>>
      %dma_wait3A_79 = tpu.memref_squeeze %dma_wait3A_78 : memref<1x8x16xf32, #tpu.memory_space<hbm>> -> memref<8x16xf32, #tpu.memory_space<hbm>>
      tpu.wait_dma2 semaphore(%run_scoped3A : memref<!tpu.dma_semaphore, #tpu.memory_space<semaphore_mem>>) src(%arg9 : memref<8x16xf32, #tpu.memory_space<vmem>>) dst(%dma_wait3A_79 : memref<8x16xf32, #tpu.memory_space<hbm>>)
      tpu.yield
    }) : () -> ()
    return
  }
}

module attributes {stable_mosaic.version = 14 : i64} {
  func.func @_sum_body(%arg0: memref<128x16xf32, #tpu.memory_space<vmem>>, %arg1: memref<1x1xf32, #tpu.memory_space<smem>>) attributes {dimension_semantics = [], scalar_prefetch = 0 : i64, scratch_operands = 0 : i64, tpu.core_type = #tpu.core_type<tc>} {
    %get3A = arith.constant 0 : index
    %get3A_0 = arith.constant 0 : index
    %get3A_1 = vector.load %arg0[%get3A, %get3A_0] : memref<128x16xf32, #tpu.memory_space<vmem>>, vector<128x16xf32>
    %reduce_sum3A = arith.constant dense<0.000000e+00> : vector<128xf32>
    %reduce_sum3A_2 = vector.multi_reduction <add>, %get3A_1, %reduce_sum3A [1] : vector<128x16xf32> to vector<128xf32>
    %add3A = arith.constant 1.000000e-01 : f32
    %add3A_3 = vector.broadcast %add3A : f32 to vector<128xf32>
    %add3A_4 = arith.addf %add3A_3, %reduce_sum3A_2 : vector<128xf32>
    %max3A = arith.constant 0.000000e+00 : f32
    %max3A_5 = vector.broadcast %max3A : f32 to vector<128xf32>
    %max3A_6 = arith.maximumf %add3A_4, %max3A_5 : vector<128xf32>
    %iota3A = tpu.iota {dimensions = array<i32: 1>} : vector<1x128xi32>
    %iota3A_7 = vector.shape_cast %iota3A : vector<1x128xi32> to vector<128xi32>
    %lt3A = arith.constant 100 : i32
    %lt3A_8 = vector.broadcast %lt3A : i32 to vector<128xi32>
    %lt3A_9 = arith.cmpi slt, %iota3A_7, %lt3A_8 : vector<128xi32>
    %jit3A = arith.constant 0.000000e+00 : f32
    %broadcast_in_dim3A = vector.broadcast %jit3A : f32 to vector<128xf32>
    %select_n3A = arith.select %lt3A_9, %max3A_6, %broadcast_in_dim3A : vector<128xi1>, vector<128xf32>
    %reduce_sum3A_10 = vector.shape_cast %select_n3A : vector<128xf32> to vector<1x128xf32>
    %reduce_sum3A_11 = arith.constant dense<0.000000e+00> : vector<1xf32>
    %reduce_sum3A_12 = vector.multi_reduction <add>, %reduce_sum3A_10, %reduce_sum3A_11 [1] : vector<1x128xf32> to vector<1xf32>
    %reduce_sum3A_13 = vector.shape_cast %reduce_sum3A_12 : vector<1xf32> to vector<1x1xf32>
    %reduce_sum3A_14 = vector.extract %reduce_sum3A_13[0, 0] : f32 from vector<1x1xf32>
    %swap3A = arith.constant 0 : index
    %swap3A_15 = arith.constant 0 : index
    %swap3A_16 = memref.load %arg1[%swap3A, %swap3A_15] : memref<1x1xf32, #tpu.memory_space<smem>>
    memref.store %reduce_sum3A_14, %arg1[%swap3A, %swap3A_15] : memref<1x1xf32, #tpu.memory_space<smem>>
    return
  }
}

</mosaic_0001>

<sc_bundles>
// kernel: kernel.4.cloned.1.call-start
scs
__scs_entry_jumppad:
0x0: {  	(pc) =	sbr.rel $0x88, $3  }
0x1: {  	(tag) =	ssettag $0x0;
	lr =	simm.s32 $0x1  }
0x2: {  	[smem:$0x3F9D] =	sst lr;
	_ =	strace $0xD0000000  }
0x3: {  	_ = 	snop  }
0x4: {  	_ = 	snop  }
0x5: {  	_ = 	snop  }
0x6: {  	_ = 	snop  }
0x7: {  	_ = 	snop  }
__scs_overlays_trampoline_lowered:
0x8: {  	[smem:$0x3FAC] =	sst s0  }
0x9: {  	[smem:$0x3FAD] =	sst s1  }
0xa: {  	[smem:$0x3FAE] =	sst s2  }
0xb: {  	[smem:$0x3FAF] =	sst s3  }
0xc: {  	[smem:$0x3FB0] =	sst s4  }
0xd: {  	[smem:$0x3FB1] =	sst s5  }
0xe: {  	[smem:$0x3FB2] =	sst s6  }
0xf: {  	[smem:$0x3FB3] =	sst s7  }
0x10: {  	[smem:$0x3FB4] =	sst s8  }
0x11: {  	[smem:$0x3FB5] =	sst s9;
	s0 =	simm.s32 @!p0 $0x0  }
0x12: {  	s1 =	sld [smem:$0x3F9B];
	s0 =	simm.s32 @p0 $0x1  }
0x13: {  	[smem:$0x3FB6] =	sst s0;
	s0 =	simm.s32 @!p1 $0x0  }
0x14: {  	s2 =	sld [smem:$0x3F9A];
	s0 =	simm.s32 @p1 $0x1  }
0x15: {  	[smem:$0x3FB7] =	sst s0;
	s0 =	simm.s32 @!p2 $0x0  }
0x16: {  	s3 =	sld [smem:$0x3FDB];
	s0 =	simm.s32 @p2 $0x1  }
0x17: {  	s4 =	simm.s32 $0x1BF5;
	[smem:$0x3FB9] =	sst s0  }
0x18: {  	s0 =	sld [smem:$0x3F9C];
	_ =	swait.ge [sflag:s4], $0x0  }
0x19: {  	s7 =	sld [smem:$0x3F9D]  }
0x1a: {  	s8 =	sadd.s32 $0xFFFFE003, lr  }
0x1b: {  	s9 =	sadd.s32 $0xFFFFFEF7, lr;
	s5 =	simm.s32 $0xFFFFFFFF;
	p2 =	slt.u32 s8, $0xFFFFF086  }
0x1c: {  	p1 =	slt.u32 s9, $0xF7A;
	s5 =	simm.s32 @!p2 $0x0  }
0x1d: {  	s5 =	simm.s32 @p1 $0x1;
	p0 =	seq.s32 s7, s2  }
0x1e: {  	s7 =	smul.u32 @!p0 $0xF7A, s2;
	p2 =	seq.s32 @!p0 s5, $0x0  }
0x1f: {  	s9 =	smul.u32 $0xF7A, s1;
	s8 =	simm.s32 @!p0 $0x1BF5;
	p2 =	por !p2, p0  }
0x20: {  	[sflag:s8] =	ssyncset.s32 @!p0 $0xFFFFF086;
	s6 =	sadd.s32 @!p0 s3, s7;
	s7 =	simm.s32 @!p0 $0x108  }
0x21: {  	s3 =	sadd.s32 s3, s9;
	s6 =	sadd.s32 @!p0 $0x88, s6;
	s7 =	simm.s32 @p2 $0x1082  }
0x22: {  	[simem:s7], [sflag:s8] =	dma.local @!p0 [hbm:s6], $0xF7A  }
0x23: {  	s9 =	sor.u32 $0xD0000000, s2;
	s6 =	simm.s32 $0x108;
	_ =	swait.ge @!p0 [sflag:s8], $0x0  }
0x24: {  	s3 =	sadd.s32 $0x88, s3;
	s6 =	simm.s32 @!p1 $0x1082;
	[sflag:s4] =	ssyncset.s32 $0xFFFFF086  }
0x25: {  	[simem:s6], [sflag:s4] =	dma.local [hbm:s3], $0xF7A  }
0x26: {  	[smem:$0x3F9D] =	sst s1;
	(tag) =	ssettag s2;
	_ =	strace s9  }
0x27: {  	s1 =	sld [smem:$0x3FAD]  }
0x28: {  	s2 =	sld [smem:$0x3FAE]  }
0x29: {  	s4 =	sld [smem:$0x3FB0]  }
0x2a: {  	p0 =	seq.s32 s5, $0x0;
	s5 =	sld [smem:$0x3FB1]  }
0x2b: {  	s6 =	sld [smem:$0x3FB2]  }
0x2c: {  	s7 =	sld [smem:$0x3FB3]  }
0x2d: {  	s3 =	simm.s32 $0x108;
	s8 =	sld [smem:$0x3FB4]  }
0x2e: {  	s3 =	simm.s32 @!p0 $0x1082;
	s9 =	sld [smem:$0x3FB5]  }
0x2f: {  	lr =	sadd.s32 s0, s3;
	s0 =	sld [smem:$0x3FAC]  }
0x30: {  	s3 =	sld [smem:$0x3FAF]  }
0x31: {  	[smem:$0x3FB8] =	sst s10  }
0x32: {  	s10 =	sld [smem:$0x3FB6];
	_ =	sdelay $0x3  }
0x33: {  	p0 =	seq.s32 s10, $0x1;
	s10 =	sld [smem:$0x3FB8];
	_ =	sdelay $0x3  }
0x34: {  	[smem:$0x3FB8] =	sst s10  }
0x35: {  	s10 =	sld [smem:$0x3FB7];
	_ =	sdelay $0x3  }
0x36: {  	p1 =	seq.s32 s10, $0x1;
	s10 =	sld [smem:$0x3FB8];
	_ =	sdelay $0x3  }
0x37: {  	[smem:$0x3FB8] =	sst s10  }
0x38: {  	s10 =	sld [smem:$0x3FB9]  }
0x39: {  	_ = 	snop;
	(pc) =	sbr.ind lr, $3  }
0x3a: {  	_ = 	snop  }
0x3b: {  	_ = 	snop  }
0x3c: {  	p2 =	seq.s32 s10, $0x1;
	s10 =	sld [smem:$0x3FB8]  }
0x3d: {  	_ =	shalt  }
0x3e: {  	_ =	shalt  }
0x3f: {  	_ =	shalt  }
0x40: {  	_ =	shalt  }
0x41: {  	_ =	shalt  }
0x42: {  	_ =	shalt  }
0x43: {  	_ =	shalt  }
0x44: {  	_ =	shalt  }
0x45: {  	_ =	shalt  }
0x46: {  	_ =	shalt  }
0x47: {  	_ =	shalt  }
0x48: {  	_ =	shalt  }
0x49: {  	_ =	shalt  }
0x4a: {  	_ =	shalt  }
0x4b: {  	_ =	shalt  }
0x4c: {  	_ =	shalt  }
0x4d: {  	_ =	shalt  }
0x4e: {  	_ =	shalt  }
0x4f: {  	_ =	shalt  }
0x50: {  	_ =	shalt  }
0x51: {  	_ =	shalt  }
0x52: {  	_ =	shalt  }
0x53: {  	_ =	shalt  }
0x54: {  	_ =	shalt  }
0x55: {  	_ =	shalt  }
0x56: {  	_ =	shalt  }
0x57: {  	_ =	shalt  }
0x58: {  	_ =	shalt  }
0x59: {  	_ =	shalt  }
0x5a: {  	_ =	shalt  }
0x5b: {  	_ =	shalt  }
0x5c: {  	_ =	shalt  }
0x5d: {  	_ =	shalt  }
0x5e: {  	_ =	shalt  }
0x5f: {  	_ =	shalt  }
0x60: {  	_ =	shalt  }
0x61: {  	_ =	shalt  }
0x62: {  	_ =	shalt  }
0x63: {  	_ =	shalt  }
0x64: {  	_ =	shalt  }
0x65: {  	_ =	shalt  }
0x66: {  	_ =	shalt  }
0x67: {  	_ =	shalt  }
0x68: {  	_ =	shalt  }
0x69: {  	_ =	shalt  }
0x6a: {  	_ =	shalt  }
0x6b: {  	_ =	shalt  }
0x6c: {  	_ =	shalt  }
0x6d: {  	_ =	shalt  }
0x6e: {  	_ =	shalt  }
0x6f: {  	_ =	shalt  }
0x70: {  	_ =	shalt  }
0x71: {  	_ =	shalt  }
0x72: {  	_ =	shalt  }
0x73: {  	_ =	shalt  }
0x74: {  	_ =	shalt  }
0x75: {  	_ =	shalt  }
0x76: {  	_ =	shalt  }
0x77: {  	_ =	shalt  }
0x78: {  	_ =	shalt  }
0x79: {  	_ =	shalt  }
0x7a: {  	_ =	shalt  }
0x7b: {  	_ =	shalt  }
0x7c: {  	_ =	shalt  }
0x7d: {  	_ =	shalt  }
0x7e: {  	_ =	shalt  }
0x7f: {  	_ =	shalt  }
0x80: {  	_ =	shalt  }
0x81: {  	_ =	shalt  }
0x82: {  	_ =	shalt  }
0x83: {  	_ =	shalt  }
0x84: {  	_ =	shalt  }
0x85: {  	_ =	shalt  }
0x86: {  	_ =	shalt  }
0x87: {  	_ =	shalt  }
.Lfunc_end0:
.L_simem_size_0:
called_computation_lowered:
.L_overlay_start_0:
0x88: {  	s0 =	sld [smem:$0x3FD9]  }
0x89: {  	s1 =	sld [smem:$0x3FFE];
	_ =	sdelay $0x3  }
0x8a: {  	s0 =	sadd.s32 s1, s0  }
0x8b: {  	[smem:$0x3FC4] =	sst s0  }
0x8c: {  	_ = 	snop  }
0x8d: {  	s0 =	sld [smem:$0x3FC6];
	(tm) =	ssettm $0x1  }
0x8e: {  	s16 =	sld [smem:$0x3FFB];
	_ =	sdelay $0x3  }
0x8f: {  	_ =	strace s16  }
0x90: {  	s1 =	sld [smem:$0x3FFC];
	_ =	sdelay $0x3  }
0x91: {  	_ =	strace s1  }
0x92: {  	s1 =	sld [smem:$0x3FFD];
	_ =	sdelay $0x3  }
0x93: {  	_ =	strace s1  }
0x94: {  	_ =	strace $0x8FFFFFFF  }
0x95: {  	s17 =	sld [smem:$0x3FDB];
	_ =	sdelay $0x1  }
0x96: {  	s2 =	simm.s32 $_scs_section_size  }
0x97: {  	s3 =	simm.s32 $_size__tile_overlayer_lowered;
	s4 =	simm.s32 $_tile_overlayer_lowered  }
0x98: {  	s20 =	simm.s32 $0x1BFF;
	s19 =	sshll.u32 s4, $0x1;
	s1 =	sadd.s32 s2, s17  }
0x99: {  	s5 =	simm.s32 $0x0;
	s18 =	sshll.u32 s3, $0x1;
	s3 =	sadd.s32 s19, s1  }
0x9a: {  	[timem:s5], [sflag:s20] =	dma.local [hbm:s3], s18  }
0x9b: {  	_ =	swait.ge [sflag:s20], s18  }
0x9c: {  	s2 =	ssub.s32 $0x0, s18;
	[sflag:s20] =	ssyncset.done $0x0  }
0x9d: {  	[sflag:s20] =	ssyncadd.s32 s2;
	_ =	sdelay $0x1  }
0x9e: {  	s21 =	simm.s32 $0x1B8B  }
0x9f: {  	_ =	swait.ge [sflag:s21], $0x1  }
0xa0: {  	[sflag:s21] =	ssyncset.done $0x0  }
0xa1: {  	s23 =	simm.s32 $0x1B8E;
	s22 =	sld [smem:$0x3FFE];
	[sflag:s21] =	ssyncadd.s32 $0xFFFFFFFF  }
0xa2: {  	s24 =	simm.s32 $execute0_lowered;
	[smem:$0x3FD2] =	sst s23  }
0xa3: {  	s3 =	sshll.u32 s24, $0x1;
	_ =	strace $0x80000046;
	[dreg:$0x1] =	wrdreg $0xFFFFFFFF  }
0xa4: {  	s25 =	simm.s32 $_size_execute0_lowered;
	s1 =	sadd.s32 s1, s3;
	[dreg:$0x0] =	wrdreg $0x0  }
0xa5: {  	s3 =	sshll.u32 s25, $0x1;
	[dreg:$0x2] =	wrdreg s1  }
0xa6: {  	[dreg:$0x3] =	wrdreg s3  }
0xa7: {  	[dreg:$0x4] =	wrdreg $0xC0  }
0xa8: {  	_ =	task [dreg:s5], $0x5FFFF  }
0xa9: {  	[dreg:$0x1] =	wrdreg $0xFFFFFFFF  }
0xaa: {  	[dreg:$0x0] =	wrdreg $0x60  }
0xab: {  	[dreg:$0x2] =	wrdreg s22  }
0xac: {  	[dreg:$0x3] =	wrdreg s0  }
0xad: {  	[dreg:$0x4] =	wrdreg $0x9  }
0xae: {  	_ =	task.clear_ibuf [dreg:s5], $0x5FFFF;
	_ =	strace $0x90000046  }
0xaf: {  	s26 =	simm.s32 $0x9;
	_ =	strace $0x80000048  }
0xb0: {  	_ =	swait.ge [sflag:s26], $0x1  }
0xb1: {  	[sflag:s26] =	ssyncadd.s32 $0xFFFFFFFF  }
0xb2: {  	_ =	strace $0x90000048  }
0xb3: {  	_ =	sfence  }
0xb4: {  	s28 =	sld [smem:$0x0];
	_ =	sdelay $0x1  }
0xb5: {  	s29 =	srdreg.scid  }
0xb6: {  	s30 =	sshll.u32 s29, $0xD;
	s31 =	sshrl.u32 s29, $0x2  }
0xb7: {  	s2 =	sand.u32 $0x4000, s30;
	s1 =	sand.u32 $0x1, s29;
	s0 =	sadd.s32 s31, s28  }
0xb8: {  	s1 =	sor.u32 s2, s1;
	s0 =	sshll.u32 s0, $0x11  }
0xb9: {  	s0 =	sor.u32 s0, s1  }
0xba: {  	s0 =	sadd.s32 $0x8F2B, s0  }
0xbb: {  	[sflag:s0] =	ssyncadd.remote.s32 $0x1  }
0xbc: {  	_ =	sfence.sel $0xFFFF  }
0xbd: {  	[dreg:$0x0] =	wrdreg $0xFFFFFFFF;
	(pc) =	sbr.abs _section_cstart, $3  }
0xbe: {  	[dreg:$0x1] =	wrdreg $0xFFFFFFFF  }
0xbf: {  	_ =	task.clear_ibuf [dreg:s5], $0x2FFFF;
	_ =	strace $0x9FFFFFFF  }
0xc0: {  	(tm) =	ssettm $0x7FFFFFFF  }
0xc1: {  	_ =	shalt  }
tec
execute0_lowered:
.L_overlay_start_1:
0x0: {  	(tag) =	ssettag $0x1  }
0x1: {  	s2 =	rddreg [dreg:$0x0]  }
0x2: {  	s3 =	rddreg [dreg:$0x1]  }
0x3: {  	s0 =	rddreg [dreg:$0x2];
	s1 =	stileid.u32  }
0x4: {  	s4 =	simm.s32 $0x0;
	s7 =	simm.s32 $0x80;
	s5 =	sshll.u32 s1, $0xA  }
0x5: {  	[smem:$0x7FF] =	sst s4;
	s6 =	sshll.u32 s1, $0x4;
	s5 =	sadd.s32 s5, s2  }
0x6: {  	_ =	strace $0x80000047;
	s6 =	sadd.s32 s6, s2;
	s5 =	sadd.s32 $0xC00, s5  }
0x7: {  	[tilespmem:s7], [sflag:$0x2] =	stream.linear.gather [hbm4b:s5+s4], $0x2000, $0x38;
	[tilespmem:$0x6480] =	vst v63  }
0x8: {  	s15 =	simm.s32 $0x3;
	s14 =	sadd.s32 $0xA00, s6  }
0x9: {  	[tilespmem:s4], [sflag:$0x3] =	stream.linear.gather [hbm4b:s14+s4], $0x80, $0x38;
	[tilespmem:$0x6480] =	vst v63  }
0xa: {  	_ =	swait.ge [sflag:s15], $0x80  }
0xb: {  	[sflag:s15] =	ssyncset.done $0x0  }
0xc: {  	[sflag:s15] =	ssyncadd.s32 $0xFFFFFF80  }
0xd: {  	v0 =	vld [tilespmem:$0x0];
	_ =	sdelay $0x4  }
0xe: {  	v1 =	vshll.u32 v0, $0x3  }
0xf: {  	v2 =	vlaneseq.u32;
	v0 =	vand.u32 $0x7, v0;
	v1 =	vand.u32 $0xFFFFFFC0, v1  }
0x10: {  	v3 =	vshrl.u32 v2, $0x3;
	v0 =	vor.u32 v0, v1;
	v1 =	vand.u32 $0x7, v2  }
0x11: {  	v3 =	vmul.u32 $0x8, v3;
	v1 =	vperm.xlane v0, v1;
	_ =	sdelay $0x1  }
0x12: {  	v1 =	vadd.s32 v3, v1;
	_ =	sdelay $0x3  }
0x13: {  	vm0 =	vmmov $0xffff;
	s16 =	simm.s32 $0x2080  }
0x14: {  	v2 =	vor.u32 $0x8, v2;
	[tilespmem:s16], [sflag:$0x1] =	stream.indirect_vreg.gather [hbm4b:s3+s4], $0x80, v1, vm0, $0xb8;
	[tilespmem:$0x6480] =	vst v63  }
0x15: {  	s18 =	simm.s32 $0x2880;
	s17 =	sadd.s32 $0x100, s3;
	v0 =	vperm.xlane v0, v2  }
0x16: {  	[tilespmem:s18], [sflag:$0x1] =	stream.indirect_vreg.gather [hbm4b:s17+s4], $0x80, v1, vm0, $0xb8;
	[tilespmem:$0x6480] =	vst v63  }
0x17: {  	s20 =	simm.s32 $0x3080;
	s19 =	sadd.s32 $0x200, s3;
	v0 =	vadd.s32 v3, v0  }
0x18: {  	[tilespmem:s20], [sflag:$0x1] =	stream.indirect_vreg.gather [hbm4b:s19+s4], $0x80, v1, vm0, $0xb8;
	[tilespmem:$0x6480] =	vst v63  }
0x19: {  	s8 =	simm.s32 $0x3880;
	s21 =	sadd.s32 $0x300, s3  }
0x1a: {  	[tilespmem:s8], [sflag:$0x1] =	stream.indirect_vreg.gather [hbm4b:s21+s4], $0x80, v1, vm0, $0xb8;
	[tilespmem:$0x6480] =	vst v63  }
0x1b: {  	s22 =	simm.s32 $0x4080  }
0x1c: {  	[tilespmem:s22], [sflag:$0x1] =	stream.indirect_vreg.gather [hbm4b:s3+s4], $0x80, v0, vm0, $0xb8;
	[tilespmem:$0x6480] =	vst v63  }
0x1d: {  	s23 =	simm.s32 $0x4880  }
0x1e: {  	[tilespmem:s23], [sflag:$0x1] =	stream.indirect_vreg.gather [hbm4b:s17+s4], $0x80, v0, vm0, $0xb8;
	[tilespmem:$0x6480] =	vst v63  }
0x1f: {  	s24 =	simm.s32 $0x5080  }
0x20: {  	[tilespmem:s24], [sflag:$0x1] =	stream.indirect_vreg.gather [hbm4b:s19+s4], $0x80, v0, vm0, $0xb8;
	[tilespmem:$0x6480] =	vst v63  }
0x21: {  	s25 =	simm.s32 $0x5880;
	s26 =	simm.s32 $0x2  }
0x22: {  	[tilespmem:s25], [sflag:$0x1] =	stream.indirect_vreg.gather [hbm4b:s21+s4], $0x80, v0, vm0, $0xb8;
	[tilespmem:$0x6480] =	vst v63  }
0x23: {  	_ =	swait.ge [sflag:s26], $0x2000  }
0x24: {  	[sflag:s26] =	ssyncset.done $0x0  }
0x25: {  	s28 =	simm.s32 $0x1;
	[sflag:s26] =	ssyncadd.s32 $0xFFFFE000  }
0x26: {  	_ =	swait.ge [sflag:s28], $0x4000  }
0x27: {  	s29 =	sor.u32 s4, s4;
	s30 =	sand.u32 $0x70, s4;
	[sflag:s28] =	ssyncset.done $0x0  }
0x28: {  	s3 =	sor.u32 $0x380, s29;
	s4 =	sand.u32 $0x1C00, s4;
	[sflag:s28] =	ssyncadd.s32 $0xFFFFC000  }
0x29: {  	s5 =	sor.u32 s30, s4;
	v0 =	vld [tilespmem:s3+$0x2080]  }
0x2a: {  	v1 =	vld [tilespmem:s5+$0x4400]  }
0x2b: {  	v3 =	vld [tilespmem:s5+$0x2080]  }
0x2c: {  	v2 =	vld [tilespmem:s3+$0x80]  }
0x2d: {  	v4 =	vld [tilespmem:s5+$0x4080]  }
0x2e: {  	v5 =	vld [tilespmem:s5+$0x2100]  }
0x2f: {  	v6 =	vld [tilespmem:s5+$0x4100]  }
0x30: {  	v7 =	vld [tilespmem:s5+$0x2180]  }
0x31: {  	v8 =	vld [tilespmem:s5+$0x4180]  }
0x32: {  	v9 =	vld [tilespmem:s5+$0x2200]  }
0x33: {  	v10 =	vld [tilespmem:s5+$0x4200]  }
0x34: {  	v11 =	vld [tilespmem:s5+$0x2280]  }
0x35: {  	v13 =	vld [tilespmem:s5+$0x4280]  }
0x36: {  	v14 =	vld [tilespmem:s5+$0x2300]  }
0x37: {  	v16 =	vld [tilespmem:s5+$0x4300]  }
0x38: {  	v17 =	vld [tilespmem:s5+$0x2380]  }
0x39: {  	v18 =	vld [tilespmem:s5+$0x80];
	v0 =	vsub.f32 v1, v0  }
0x3a: {  	v19 =	vld [tilespmem:s5+$0x100];
	v3 =	vsub.f32 v4, v3;
	v4 =	vsub.f32 v6, v5  }
0x3b: {  	v1 =	vld [tilespmem:s5+$0x4380];
	v12 =	vsub.f32 v8, v7;
	v10 =	vsub.f32 v10, v9  }
0x3c: {  	v15 =	vld [tilespmem:s5+$0x180];
	v11 =	vsub.f32 v13, v11;
	v8 =	vsub.f32 v16, v14  }
0x3d: {  	v14 =	vld [tilespmem:s5+$0x200];
	v6 =	vimm.f32 $0.0e+00;
	v7 =	vimm.f32 $0.0e+00;
	v5 =	vimm.f32 $0.0e+00  }
0x3e: {  	s31 =	simm.s32 $0x10;
	s3 =	simm.s32 $0x80;
	v13 =	vld [tilespmem:s5+$0x280];
	v0 =	vmul.f32 v0, v2;
	v2 =	vimm.f32 $0.0e+00;
	v18 =	vmul.f32 v3, v18  }
0x3f: {  	s2 =	sadd.s32 $0x4C00, s2;
	s7 =	sand.u32 $0x70, s31;
	s4 =	sor.u32 s3, s31;
	v16 =	vld [tilespmem:s5+$0x300];
	v19 =	vmul.f32 v4, v19;
	v4 =	vimm.f32 $0.0e+00;
	v3 =	vimm.f32 $0.0e+00  }
0x40: {  	s8 =	sand.u32 $0x1C00, s3;
	s6 =	sor.u32 $0x380, s4;
	s4 =	simm.s32 $0x20;
	v0 =	vadd.f32 v0, v2;
	v9 =	vsub.f32 v1, v17;
	v17 =	vld [tilespmem:s5+$0x380];
	v1 =	vimm.f32 $0.0e+00  }
.LBB2_1:
0x41: {  	p0 =	sne.s32 s4, $0x3F0;
	s5 =	sor.u32 s7, s8;
	v20 =	vld [tilespmem:s6+$0x2080];
	v2 =	vadd.f32 v18, v2;
	v12 =	vmul.f32 v12, v15  }
0x42: {  	v15 =	vld [tilespmem:s5+$0x4400];
	v6 =	vadd.f32 v19, v6;
	v10 =	vmul.f32 v10, v14  }
0x43: {  	v14 =	vld [tilespmem:s5+$0x2080];
	v7 =	vadd.f32 v12, v7;
	v11 =	vmul.f32 v11, v13  }
0x44: {  	v12 =	vld [tilespmem:s6+$0x80];
	v4 =	vadd.f32 v10, v4;
	v8 =	vmul.f32 v8, v16  }
0x45: {  	v10 =	vld [tilespmem:s5+$0x4080];
	v5 =	vadd.f32 v11, v5;
	v9 =	vmul.f32 v9, v17  }
0x46: {  	v11 =	vld [tilespmem:s5+$0x2100];
	v3 =	vadd.f32 v8, v3  }
0x47: {  	v8 =	vld [tilespmem:s5+$0x4100];
	v13 =	vsub.f32 v15, v20;
	v1 =	vadd.f32 v9, v1  }
0x48: {  	v9 =	vld [tilespmem:s5+$0x2180]  }
0x49: {  	v15 =	vld [tilespmem:s5+$0x4180];
	v12 =	vmul.f32 v13, v12  }
0x4a: {  	v16 =	vsub.f32 v10, v14;
	v10 =	vld [tilespmem:s5+$0x2200]  }
0x4b: {  	v13 =	vld [tilespmem:s5+$0x4200];
	v0 =	vadd.f32 v12, v0  }
0x4c: {  	v17 =	vsub.f32 v8, v11;
	v8 =	vld [tilespmem:s5+$0x2280]  }
0x4d: {  	v11 =	vld [tilespmem:s5+$0x4280]  }
0x4e: {  	v12 =	vsub.f32 v15, v9;
	v9 =	vld [tilespmem:s5+$0x2300]  }
0x4f: {  	v14 =	vld [tilespmem:s5+$0x4300]  }
0x50: {  	v10 =	vsub.f32 v13, v10;
	v18 =	vld [tilespmem:s5+$0x2380]  }
0x51: {  	v19 =	vld [tilespmem:s5+$0x4380]  }
0x52: {  	v20 =	vld [tilespmem:s5+$0x80];
	v11 =	vsub.f32 v11, v8  }
0x53: {  	v21 =	vld [tilespmem:s5+$0x100]  }
.Ltmp0:
0x54: {  	v15 =	vld [tilespmem:s5+$0x180];
	v8 =	vsub.f32 v14, v9;
	(pc) =	sbr.rel @p0 .LBB2_1-.Ltmp0, $4  }
0x55: {  	v14 =	vld [tilespmem:s5+$0x200]  }
0x56: {  	s3 =	sadd.s32 $0x80, s3;
	v13 =	vld [tilespmem:s5+$0x280];
	v9 =	vsub.f32 v19, v18  }
0x57: {  	s7 =	sand.u32 $0x70, s4;
	s6 =	sor.u32 s3, s4;
	v18 =	vmul.f32 v16, v20;
	v16 =	vld [tilespmem:s5+$0x300]  }
0x58: {  	s8 =	sand.u32 $0x1C00, s3;
	s4 =	sadd.s32 $0x10, s4;
	s6 =	sor.u32 $0x380, s6;
	v19 =	vmul.f32 v17, v21;
	v17 =	vld [tilespmem:s5+$0x380]  }
0x59: {  	s3 =	sor.u32 s7, s8;
	v20 =	vld [tilespmem:s6+$0x2080]  }
0x5a: {  	v21 =	vld [tilespmem:s3+$0x4400]  }
0x5b: {  	v22 =	vld [tilespmem:s3+$0x2080]  }
0x5c: {  	v23 =	vld [tilespmem:s3+$0x4080]  }
0x5d: {  	v24 =	vld [tilespmem:s3+$0x2100]  }
0x5e: {  	v25 =	vld [tilespmem:s3+$0x4100]  }
0x5f: {  	v26 =	vld [tilespmem:s3+$0x2180]  }
0x60: {  	v27 =	vld [tilespmem:s3+$0x4180]  }
0x61: {  	v28 =	vld [tilespmem:s3+$0x2200]  }
0x62: {  	v29 =	vld [tilespmem:s3+$0x4200]  }
0x63: {  	v30 =	vld [tilespmem:s3+$0x2280]  }
0x64: {  	v31 =	vld [tilespmem:s3+$0x4280]  }
0x65: {  	v32 =	vld [tilespmem:s3+$0x2300]  }
0x66: {  	v33 =	vld [tilespmem:s3+$0x4300]  }
0x67: {  	v34 =	vld [tilespmem:s3+$0x2380]  }
0x68: {  	v35 =	vld [tilespmem:s3+$0x4380]  }
0x69: {  	v12 =	vmul.f32 v12, v15;
	v44 =	vld [tilespmem:s3+$0x80]  }
0x6a: {  	v2 =	vadd.f32 v18, v2;
	v10 =	vmul.f32 v10, v14;
	v45 =	vld [tilespmem:s3+$0x100]  }
0x6b: {  	v6 =	vadd.f32 v19, v6;
	v46 =	vld [tilespmem:s3+$0x180];
	v7 =	vadd.f32 v12, v7;
	v11 =	vmul.f32 v11, v13  }
0x6c: {  	v48 =	vld [tilespmem:s3+$0x200];
	v4 =	vadd.f32 v10, v4;
	v47 =	vsub.f32 v23, v22  }
0x6d: {  	v50 =	vld [tilespmem:s3+$0x280];
	v8 =	vmul.f32 v8, v16;
	v5 =	vadd.f32 v11, v5;
	v49 =	vsub.f32 v25, v24  }
0x6e: {  	v52 =	vld [tilespmem:s3+$0x300];
	v9 =	vmul.f32 v9, v17;
	v51 =	vsub.f32 v27, v26;
	v10 =	vmul.f32 v47, v44  }
0x6f: {  	v54 =	vld [tilespmem:s3+$0x380];
	v3 =	vadd.f32 v8, v3;
	v53 =	vsub.f32 v29, v28;
	v11 =	vmul.f32 v49, v45  }
0x70: {  	v57 =	vld [tilespmem:s6+$0x80];
	v55 =	vsub.f32 v31, v30;
	v56 =	vmul.f32 v51, v46;
	v2 =	vadd.f32 v10, v2  }
0x71: {  	v58 =	vsub.f32 v33, v32;
	v8 =	vmul.f32 v53, v48;
	v6 =	vadd.f32 v11, v6  }
0x72: {  	v59 =	vsub.f32 v35, v34;
	v60 =	vmul.f32 v55, v50;
	v7 =	vadd.f32 v56, v7;
	[tilespmem:$0x6080] =	vst v2  }
0x73: {  	v61 =	vsub.f32 v21, v20;
	v62 =	vmul.f32 v58, v52;
	v4 =	vadd.f32 v8, v4;
	[tilespmem:$0x6100] =	vst v6  }
0x74: {  	v1 =	vadd.f32 v9, v1;
	v63 =	vmul.f32 v59, v54;
	v5 =	vadd.f32 v60, v5;
	[tilespmem:$0x6180] =	vst v7  }
0x75: {  	v3 =	vadd.f32 v62, v3;
	v2 =	vmul.f32 v61, v57;
	[tilespmem:$0x6200] =	vst v4  }
0x76: {  	v1 =	vadd.f32 v63, v1;
	[tilespmem:$0x6280] =	vst v5  }
0x77: {  	[tilespmem:$0x6300] =	vst v3;
	v0 =	vadd.f32 v2, v0  }
0x78: {  	s29 =	sshll.u32 s1, $0x7;
	s30 =	simm.s32 $0x0;
	[tilespmem:$0x6380] =	vst v1  }
0x79: {  	s4 =	simm.s32 $0x6080;
	s31 =	simm.s32 $0x3;
	s2 =	sadd.s32 s2, s29;
	[tilespmem:$0x6400] =	vst v0  }
0x7a: {  	[hbm4b:s2+s30] =	stream.linear.scatter [tilespmem:s4], [sflag:$0x3], $0x400, $0x38;
	[tilespmem:$0x6480] =	vst v63  }
0x7b: {  	_ =	swait.ge [sflag:s31], $0x400  }
0x7c: {  	[sflag:s31] =	ssyncset.done $0x0  }
0x7d: {  	[sflag:s31] =	ssyncadd.s32 $0xFFFFFC00  }
0x7e: {  	_ =	sfence.sel $0x180000  }
0x7f: {  	[bflag:$0x0] =	sbarrier.arrive $0xFFFF  }
0x80: {  	p0 =	sne.s32 s1, $0x0;
	_ =	strace $0x90000047  }
0x81: {  	s0 =	sadd.s32 @!p0 $0x100000, s0;
	[bflag:$0x2] =	sbarrier.arrive $0xFFFF  }
0x82: {  	[sflag:s0] =	ssyncadd.tile.s32 @!p0 $0x1;
	_ =	shalt  }
.Lfunc_end2:
_tile_overlayer_lowered:
.L_overlay_start_2:
0x83: {  	(tag) =	ssettag $0x2  }
0x84: {  	s0 =	rddreg [dreg:$0x0];
	s2 =	stileid.u32  }
0x85: {  	s1 =	rddreg [dreg:$0x1];
	p0 =	sne.s32 s2, $0x0  }
0x86: {  	s3 =	rddreg [dreg:$0x2];
	[bflag:$0x3] =	sbarrier.arrive $0xFFFF;
	s2 =	simm.s32 @!p0 $0x1C03  }
0x87: {  	[timem:s3], [sflag:s2] =	dma.local @!p0 [hbm:s0], s1  }
0x88: {  	s0 =	simm.s32 @!p0 $0x3  }
0x89: {  	_ =	swait.ge @!p0 [sflag:s0], s1  }
0x8a: {  	s1 =	ssub.s32 @!p0 $0x0, s1;
	[sflag:s0] =	ssyncset.done @!p0 $0x0  }
0x8b: {  	[sflag:s0] =	ssyncadd.s32 @!p0 s1  }
0x8c: {  	[bflag:$0x3] =	sbarrier.arrive $0xFFFF  }
0x8d: {  	_ =	shalt  }

</sc_bundles>
